<compile_context>
chip_gen: v7x
topology: tpu7x:2x2x1
jax: 0.10.2.dev20260603
libtpu: 0.0.44.dev20260713+nightly
codegen_flags: <defaults>
</compile_context>

<pallas_src>
import jax
import jax.numpy as jnp
from jax import lax
from jax.experimental import pallas as pl
from jax.experimental.pallas import tpu as pltpu
from jax.experimental.pallas import tpu_sc as plsc

N_NODES = 10000
N_EDGES = 320000
D = 128

NC = 2
NS = 16
NW = NC * NS
E_PER_W = N_EDGES // NW
K = 128
CHUNKS = (E_PER_W + K - 1) // K
E_PER_W_PAD = CHUNKS * K
ACC_ROWS = N_NODES + 8
ROWS_PER_TILE = 624
TAIL_ROWS = N_NODES - NS * ROWS_PER_TILE
ZROWS = 104


def _sc_body(
    x_hbm, src_hbm, dst_hbm, out_hbm,
    src_v, dst_v, rows_v, acc, semg, semi,
):
    c = lax.axis_index("c")
    s = lax.axis_index("s")
    wid = c * NS + s

    src_cp = pltpu.async_copy(src_hbm.at[wid], src_v, semi)
    dst_cp = pltpu.async_copy(dst_hbm.at[wid], dst_v, semi)

    def _zrow(r, carry):
        for k in range(D // 16):
            rows_v[r, pl.ds(k * 16, 16)] = jnp.zeros((16,), jnp.float32)
        return carry

    lax.fori_loop(0, ZROWS, _zrow, 0)

    def _zcopy(k, carry):
        pltpu.sync_copy(
            rows_v.at[pl.ds(0, ZROWS)],
            acc.at[pl.ds(s * ROWS_PER_TILE + k * ZROWS, ZROWS)],
        )
        return carry

    lax.fori_loop(0, ROWS_PER_TILE // ZROWS, _zcopy, 0)

    @pl.when(s == 0)
    def _zero_tail():
        pltpu.sync_copy(
            rows_v.at[pl.ds(0, TAIL_ROWS)],
            acc.at[pl.ds(NS * ROWS_PER_TILE, TAIL_ROWS)],
        )

    plsc.subcore_barrier()
    src_cp.wait()
    dst_cp.wait()

    def _step(j, carry):
        pltpu.async_copy(x_hbm.at[src_v.at[j]], rows_v, semg).wait()
        pltpu.sync_copy(rows_v, acc.at[dst_v.at[j]], add=True)
        return carry

    lax.fori_loop(0, CHUNKS, _step, 0)
    plsc.subcore_barrier()

    pltpu.sync_copy(
        acc.at[pl.ds(s * ROWS_PER_TILE, ROWS_PER_TILE)],
        out_hbm.at[c, pl.ds(s * ROWS_PER_TILE, ROWS_PER_TILE)],
    )

    @pl.when(s == 0)
    def _write_tail():
        pltpu.sync_copy(
            acc.at[pl.ds(NS * ROWS_PER_TILE, TAIL_ROWS)],
            out_hbm.at[c, pl.ds(NS * ROWS_PER_TILE, TAIL_ROWS)],
        )


_sc_scatter = pl.kernel(
    _sc_body,
    out_type=jax.ShapeDtypeStruct((NC, N_NODES, D), jnp.float32),
    mesh=plsc.VectorSubcoreMesh(
        core_axis_name="c", subcore_axis_name="s", num_cores=NC, num_subcores=NS
    ),
    scratch_types=[
        pltpu.VMEM((CHUNKS, K), jnp.int32),
        pltpu.VMEM((CHUNKS, K), jnp.int32),
        pltpu.VMEM((K, D), jnp.float32),
        pltpu.VMEM_SHARED((ACC_ROWS, D), jnp.float32),
        pltpu.SemaphoreType.DMA,
        pltpu.SemaphoreType.DMA,
    ],
)


ROW_BLK = 1000


def _tc_body(p_ref, w_ref, b_ref, a_ref, o_ref):
    h = p_ref[0] + p_ref[1]
    z = jnp.dot(h, w_ref[...], preferred_element_type=jnp.float32) + b_ref[...]
    o_ref[...] = jnp.where(z >= 0, z, a_ref[...] * z)


_tc_combine = pl.pallas_call(
    _tc_body,
    grid=(N_NODES // ROW_BLK,),
    in_specs=[
        pl.BlockSpec((NC, ROW_BLK, D), lambda i: (0, i, 0)),
        pl.BlockSpec((D, D), lambda i: (0, 0)),
        pl.BlockSpec((1, D), lambda i: (0, 0)),
        pl.BlockSpec((1, D), lambda i: (0, 0)),
    ],
    out_specs=pl.BlockSpec((ROW_BLK, D), lambda i: (i, 0)),
    out_shape=jax.ShapeDtypeStruct((N_NODES, D), jnp.float32),
)


def kernel(x, edge_index, W, b, a):
    pad = E_PER_W_PAD - E_PER_W
    src = edge_index[0].reshape(NW, E_PER_W)
    dst = edge_index[1].reshape(NW, E_PER_W)
    src = jnp.pad(src, ((0, 0), (0, pad)), constant_values=0)
    dst = jnp.pad(dst, ((0, 0), (0, pad)), constant_values=N_NODES)
    src = src.reshape(NW, CHUNKS, K)
    dst = dst.reshape(NW, CHUNKS, K)
    partials = _sc_scatter(x, src, dst)
    return _tc_combine(partials, W, b.reshape(1, D), a.reshape(1, D))

# --- scband reference (transcript-rebuilt; emitter-appended) ---
"""Pipeline reference for scband-unweighted-encoder-53781580480952 (READ-ONLY COPY).

The authoritative reference and input builder live on the scoring server;
editing this copy changes nothing except your own understanding.
"""

import jax, jax.numpy as jnp
import numpy as np

N_NODES = 10000
N_EDGES = 320000
D_IN = 128
D_HID = 128

def setup_inputs(seed: int = 0) -> dict:
    key = jax.random.key(seed)
    k1, k2, k3, k4, k5 = jax.random.split(key, 5)
    x = jax.random.normal(k1, (N_NODES, D_IN), dtype=jnp.float32)
    edge_index = jax.random.randint(k2, (2, N_EDGES), 0, N_NODES, dtype=jnp.int32)
    # GCNConv linear weight (PyG stores [out,in]; use [in,out] and matmul directly)
    W = jax.random.normal(k3, (D_IN, D_HID), dtype=jnp.float32) * 0.05
    b = jax.random.normal(k4, (D_HID,), dtype=jnp.float32) * 0.05
    # PReLU per-channel slope (torch init = 0.25)
    a = jnp.full((D_HID,), 0.25, dtype=jnp.float32)
    return {"x": x, "edge_index": edge_index, "W": W, "b": b, "a": a}

def reference(x, edge_index, W, b, a):
    # GCNConv with normalize=False: linear transform, then sum-aggregate
    # messages from src (edge_index[0]) to dst (edge_index[1]); no self-loops,
    # no degree normalization. Then add bias, then PReLU.
    h = x @ W
    src = edge_index[0]
    dst = edge_index[1]
    agg = jnp.zeros((x.shape[0], W.shape[1]), dtype=x.dtype).at[dst].add(h[src])
    out = agg + b
    return jnp.where(out >= 0, out, a * out)

if __name__ == "__main__":
    import jax
    _d = setup_inputs()
    print(jax.jit(kernel)(*tuple(_d.values())))

</pallas_src>

<mosaic_0001>
#map = affine_map<(d0, d1) -> (0, 0)>
#map1 = affine_map<(d0, d1) -> (0, 0, 0)>
module attributes {stable_mosaic.version = 14 : i64} {
  func.func @_sc_body(%arg0: i32, %arg1: i32, %arg2: memref<10000x128xf32, #tpu.memory_space<hbm>>, %arg3: memref<32x79x128xi32, #tpu.memory_space<hbm>>, %arg4: memref<32x79x128xi32, #tpu.memory_space<hbm>>, %arg5: memref<2x10000x128xf32, #tpu.memory_space<hbm>>, %arg6: memref<79x128xi32, #tpu.memory_space<vmem>>, %arg7: memref<79x128xi32, #tpu.memory_space<vmem>>, %arg8: memref<128x128xf32, #tpu.memory_space<vmem>>, %arg9: memref<10008x128xf32, #tpu.memory_space<vmem_shared>>, %arg10: memref<!tpu.dma_semaphore, #tpu.memory_space<semaphore_mem>>, %arg11: memref<!tpu.dma_semaphore, #tpu.memory_space<semaphore_mem>>) attributes {dimension_semantics = [#tpu.dimension_semantics<core_parallel>, #tpu.dimension_semantics<subcore_parallel>], iteration_bounds = array<i64: 2, 16>, scalar_prefetch = 0 : i64, scratch_operands = 6 : i64, tpu.core_type = #tpu.core_type<sc_vector_subcore>, window_params = [{transform_indices = #map}, {transform_indices = #map1}, {transform_indices = #map1}, {transform_indices = #map1}]} {
    %mul3A = arith.constant 16 : i32
    %mul3A_0 = arith.muli %arg0, %mul3A : i32
    %add3A = arith.addi %mul3A_0, %arg1 : i32
    %dma_start3A = arith.constant 0 : i32
    %dma_start3A_1 = arith.constant 0 : i32
    %dma_start3A_2 = tpu.memref_slice %arg3[%add3A, %dma_start3A, %dma_start3A_1] : memref<32x79x128xi32, #tpu.memory_space<hbm>> -> memref<1x79x128xi32, #tpu.memory_space<hbm>>
    %dma_start3A_3 = tpu.memref_squeeze %dma_start3A_2 : memref<1x79x128xi32, #tpu.memory_space<hbm>> -> memref<79x128xi32, #tpu.memory_space<hbm>>
    %dma_start3A_4 = arith.constant 0 : i32
    %dma_start3A_5 = arith.constant 0 : i32
    %dma_start3A_6 = tpu.memref_slice %arg3[%add3A, %dma_start3A_4, %dma_start3A_5] : memref<32x79x128xi32, #tpu.memory_space<hbm>> -> memref<1x79x128xi32, #tpu.memory_space<hbm>>
    %dma_start3A_7 = tpu.memref_squeeze %dma_start3A_6 : memref<1x79x128xi32, #tpu.memory_space<hbm>> -> memref<79x128xi32, #tpu.memory_space<hbm>>
    tpu.enqueue_dma source(%dma_start3A_7 : memref<79x128xi32, #tpu.memory_space<hbm>>) target(%arg6 : memref<79x128xi32, #tpu.memory_space<vmem>>) target_semaphore(%arg11 : memref<!tpu.dma_semaphore, #tpu.memory_space<semaphore_mem>>)
    %dma_start3A_8 = arith.constant 0 : i32
    %dma_start3A_9 = arith.constant 0 : i32
    %dma_start3A_10 = tpu.memref_slice %arg4[%add3A, %dma_start3A_8, %dma_start3A_9] : memref<32x79x128xi32, #tpu.memory_space<hbm>> -> memref<1x79x128xi32, #tpu.memory_space<hbm>>
    %dma_start3A_11 = tpu.memref_squeeze %dma_start3A_10 : memref<1x79x128xi32, #tpu.memory_space<hbm>> -> memref<79x128xi32, #tpu.memory_space<hbm>>
    %dma_start3A_12 = arith.constant 0 : i32
    %dma_start3A_13 = arith.constant 0 : i32
    %dma_start3A_14 = tpu.memref_slice %arg4[%add3A, %dma_start3A_12, %dma_start3A_13] : memref<32x79x128xi32, #tpu.memory_space<hbm>> -> memref<1x79x128xi32, #tpu.memory_space<hbm>>
    %dma_start3A_15 = tpu.memref_squeeze %dma_start3A_14 : memref<1x79x128xi32, #tpu.memory_space<hbm>> -> memref<79x128xi32, #tpu.memory_space<hbm>>
    tpu.enqueue_dma source(%dma_start3A_15 : memref<79x128xi32, #tpu.memory_space<hbm>>) target(%arg7 : memref<79x128xi32, #tpu.memory_space<vmem>>) target_semaphore(%arg11 : memref<!tpu.dma_semaphore, #tpu.memory_space<semaphore_mem>>)
    %scan3A = arith.constant 0 : i32
    %scan3A_16 = arith.constant 0 : i32
    %scan3A_17 = arith.constant 104 : i32
    %scan3A_18 = arith.addi %scan3A_16, %scan3A_17 : i32
    %scan3A_19 = arith.constant 1 : i32
    scf.for %scan3A_60 = %scan3A_16 to %scan3A_18 step %scan3A_19  : i32 {
      %broadcast_in_dim3A = arith.constant 0.000000e+00 : f32
      %broadcast_in_dim3A_61 = vector.broadcast %broadcast_in_dim3A : f32 to vector<16xf32>
      %swap3A = arith.index_cast %scan3A_60 : i32 to index
      %swap3A_62 = arith.constant 0 : index
      %swap3A_63 = tpu.vector_load %arg8[%swap3A, %swap3A_62] {strides = array<i32>} : memref<128x128xf32, #tpu.memory_space<vmem>>, vector<1x16xf32>,
      %swap3A_64 = vector.shape_cast %swap3A_63 : vector<1x16xf32> to vector<16xf32>
      %swap3A_65 = vector.shape_cast %broadcast_in_dim3A_61 : vector<16xf32> to vector<1x16xf32>
      tpu.vector_store %arg8[%swap3A, %swap3A_62], %swap3A_65 {strides = array<i32>} : memref<128x128xf32, #tpu.memory_space<vmem>>, vector<1x16xf32>,
      %broadcast_in_dim3A_66 = arith.constant 0.000000e+00 : f32
      %broadcast_in_dim3A_67 = vector.broadcast %broadcast_in_dim3A_66 : f32 to vector<16xf32>
      %swap3A_68 = arith.index_cast %scan3A_60 : i32 to index
      %swap3A_69 = arith.constant 16 : index
      %swap3A_70 = tpu.vector_load %arg8[%swap3A_68, %swap3A_69] {strides = array<i32>} : memref<128x128xf32, #tpu.memory_space<vmem>>, vector<1x16xf32>,
      %swap3A_71 = vector.shape_cast %swap3A_70 : vector<1x16xf32> to vector<16xf32>
      %swap3A_72 = vector.shape_cast %broadcast_in_dim3A_67 : vector<16xf32> to vector<1x16xf32>
      tpu.vector_store %arg8[%swap3A_68, %swap3A_69], %swap3A_72 {strides = array<i32>} : memref<128x128xf32, #tpu.memory_space<vmem>>, vector<1x16xf32>,
      %broadcast_in_dim3A_73 = arith.constant 0.000000e+00 : f32
      %broadcast_in_dim3A_74 = vector.broadcast %broadcast_in_dim3A_73 : f32 to vector<16xf32>
      %swap3A_75 = arith.index_cast %scan3A_60 : i32 to index
      %swap3A_76 = arith.constant 32 : index
      %swap3A_77 = tpu.vector_load %arg8[%swap3A_75, %swap3A_76] {strides = array<i32>} : memref<128x128xf32, #tpu.memory_space<vmem>>, vector<1x16xf32>,
      %swap3A_78 = vector.shape_cast %swap3A_77 : vector<1x16xf32> to vector<16xf32>
      %swap3A_79 = vector.shape_cast %broadcast_in_dim3A_74 : vector<16xf32> to vector<1x16xf32>
      tpu.vector_store %arg8[%swap3A_75, %swap3A_76], %swap3A_79 {strides = array<i32>} : memref<128x128xf32, #tpu.memory_space<vmem>>, vector<1x16xf32>,
      %broadcast_in_dim3A_80 = arith.constant 0.000000e+00 : f32
      %broadcast_in_dim3A_81 = vector.broadcast %broadcast_in_dim3A_80 : f32 to vector<16xf32>
      %swap3A_82 = arith.index_cast %scan3A_60 : i32 to index
      %swap3A_83 = arith.constant 48 : index
      %swap3A_84 = tpu.vector_load %arg8[%swap3A_82, %swap3A_83] {strides = array<i32>} : memref<128x128xf32, #tpu.memory_space<vmem>>, vector<1x16xf32>,
      %swap3A_85 = vector.shape_cast %swap3A_84 : vector<1x16xf32> to vector<16xf32>
      %swap3A_86 = vector.shape_cast %broadcast_in_dim3A_81 : vector<16xf32> to vector<1x16xf32>
      tpu.vector_store %arg8[%swap3A_82, %swap3A_83], %swap3A_86 {strides = array<i32>} : memref<128x128xf32, #tpu.memory_space<vmem>>, vector<1x16xf32>,
      %broadcast_in_dim3A_87 = arith.constant 0.000000e+00 : f32
      %broadcast_in_dim3A_88 = vector.broadcast %broadcast_in_dim3A_87 : f32 to vector<16xf32>
      %swap3A_89 = arith.index_cast %scan3A_60 : i32 to index
      %swap3A_90 = arith.constant 64 : index
      %swap3A_91 = tpu.vector_load %arg8[%swap3A_89, %swap3A_90] {strides = array<i32>} : memref<128x128xf32, #tpu.memory_space<vmem>>, vector<1x16xf32>,
      %swap3A_92 = vector.shape_cast %swap3A_91 : vector<1x16xf32> to vector<16xf32>
      %swap3A_93 = vector.shape_cast %broadcast_in_dim3A_88 : vector<16xf32> to vector<1x16xf32>
      tpu.vector_store %arg8[%swap3A_89, %swap3A_90], %swap3A_93 {strides = array<i32>} : memref<128x128xf32, #tpu.memory_space<vmem>>, vector<1x16xf32>,
      %broadcast_in_dim3A_94 = arith.constant 0.000000e+00 : f32
      %broadcast_in_dim3A_95 = vector.broadcast %broadcast_in_dim3A_94 : f32 to vector<16xf32>
      %swap3A_96 = arith.index_cast %scan3A_60 : i32 to index
      %swap3A_97 = arith.constant 80 : index
      %swap3A_98 = tpu.vector_load %arg8[%swap3A_96, %swap3A_97] {strides = array<i32>} : memref<128x128xf32, #tpu.memory_space<vmem>>, vector<1x16xf32>,
      %swap3A_99 = vector.shape_cast %swap3A_98 : vector<1x16xf32> to vector<16xf32>
      %swap3A_100 = vector.shape_cast %broadcast_in_dim3A_95 : vector<16xf32> to vector<1x16xf32>
      tpu.vector_store %arg8[%swap3A_96, %swap3A_97], %swap3A_100 {strides = array<i32>} : memref<128x128xf32, #tpu.memory_space<vmem>>, vector<1x16xf32>,
      %broadcast_in_dim3A_101 = arith.constant 0.000000e+00 : f32
      %broadcast_in_dim3A_102 = vector.broadcast %broadcast_in_dim3A_101 : f32 to vector<16xf32>
      %swap3A_103 = arith.index_cast %scan3A_60 : i32 to index
      %swap3A_104 = arith.constant 96 : index
      %swap3A_105 = tpu.vector_load %arg8[%swap3A_103, %swap3A_104] {strides = array<i32>} : memref<128x128xf32, #tpu.memory_space<vmem>>, vector<1x16xf32>,
      %swap3A_106 = vector.shape_cast %swap3A_105 : vector<1x16xf32> to vector<16xf32>
      %swap3A_107 = vector.shape_cast %broadcast_in_dim3A_102 : vector<16xf32> to vector<1x16xf32>
      tpu.vector_store %arg8[%swap3A_103, %swap3A_104], %swap3A_107 {strides = array<i32>} : memref<128x128xf32, #tpu.memory_space<vmem>>, vector<1x16xf32>,
      %broadcast_in_dim3A_108 = arith.constant 0.000000e+00 : f32
      %broadcast_in_dim3A_109 = vector.broadcast %broadcast_in_dim3A_108 : f32 to vector<16xf32>
      %swap3A_110 = arith.index_cast %scan3A_60 : i32 to index
      %swap3A_111 = arith.constant 112 : index
      %swap3A_112 = tpu.vector_load %arg8[%swap3A_110, %swap3A_111] {strides = array<i32>} : memref<128x128xf32, #tpu.memory_space<vmem>>, vector<1x16xf32>,
      %swap3A_113 = vector.shape_cast %swap3A_112 : vector<1x16xf32> to vector<16xf32>
      %swap3A_114 = vector.shape_cast %broadcast_in_dim3A_109 : vector<16xf32> to vector<1x16xf32>
      tpu.vector_store %arg8[%swap3A_110, %swap3A_111], %swap3A_114 {strides = array<i32>} : memref<128x128xf32, #tpu.memory_space<vmem>>, vector<1x16xf32>,
    }
    %scan3A_20 = arith.constant 104 : i32
    %scan3A_21 = arith.constant 0 : i32
    %scan3A_22 = arith.constant 0 : i32
    %scan3A_23 = arith.constant 6 : i32
    %scan3A_24 = arith.addi %scan3A_22, %scan3A_23 : i32
    %scan3A_25 = arith.constant 1 : i32
    scf.for %scan3A_60 = %scan3A_22 to %scan3A_24 step %scan3A_25  : i32 {
      %mul3A_61 = arith.constant 624 : i32
      %mul3A_62 = arith.muli %arg1, %mul3A_61 : i32
      %mul3A_63 = arith.constant 104 : i32
      %mul3A_64 = arith.muli %scan3A_60, %mul3A_63 : i32
      %add3A_65 = arith.addi %mul3A_62, %mul3A_64 : i32
      "tpu.region"() ({
        %run_scoped3A = tpu.sem_alloc : memref<!tpu.dma_semaphore, #tpu.memory_space<semaphore_mem>>
        %dma_start3A_66 = arith.constant 0 : i32
        %dma_start3A_67 = arith.constant 0 : i32
        %dma_start3A_68 = tpu.memref_slice %arg8[%dma_start3A_66, %dma_start3A_67] : memref<128x128xf32, #tpu.memory_space<vmem>> -> memref<104x128xf32, #tpu.memory_space<vmem>>
        %dma_start3A_69 = arith.constant 0 : i32
        %dma_start3A_70 = tpu.memref_slice %arg9[%add3A_65, %dma_start3A_69] : memref<10008x128xf32, #tpu.memory_space<vmem_shared>> -> memref<104x128xf32, #tpu.memory_space<vmem_shared>>
        %dma_start3A_71 = arith.constant 0 : i32
        %dma_start3A_72 = tpu.memref_slice %arg9[%add3A_65, %dma_start3A_71] : memref<10008x128xf32, #tpu.memory_space<vmem_shared>> -> memref<104x128xf32, #tpu.memory_space<vmem_shared>>
        %dma_start3A_73 = arith.constant 0 : i32
        %dma_start3A_74 = arith.constant 0 : i32
        %dma_start3A_75 = tpu.memref_slice %arg8[%dma_start3A_73, %dma_start3A_74] : memref<128x128xf32, #tpu.memory_space<vmem>> -> memref<104x128xf32, #tpu.memory_space<vmem>>
        tpu.enqueue_dma source(%dma_start3A_75 : memref<104x128xf32, #tpu.memory_space<vmem>>) target(%dma_start3A_72 : memref<104x128xf32, #tpu.memory_space<vmem_shared>>) target_semaphore(%run_scoped3A : memref<!tpu.dma_semaphore, #tpu.memory_space<semaphore_mem>>)
        %dma_wait3A_76 = arith.constant 0 : i32
        %dma_wait3A_77 = arith.constant 0 : i32
        %dma_wait3A_78 = tpu.memref_slice %arg8[%dma_wait3A_76, %dma_wait3A_77] : memref<128x128xf32, #tpu.memory_space<vmem>> -> memref<104x128xf32, #tpu.memory_space<vmem>>
        %dma_wait3A_79 = arith.constant 0 : i32
        %dma_wait3A_80 = tpu.memref_slice %arg9[%add3A_65, %dma_wait3A_79] : memref<10008x128xf32, #tpu.memory_space<vmem_shared>> -> memref<104x128xf32, #tpu.memory_space<vmem_shared>>
        %dma_wait3A_81 = arith.constant 0 : i32
        %dma_wait3A_82 = tpu.memref_slice %arg9[%add3A_65, %dma_wait3A_81] : memref<10008x128xf32, #tpu.memory_space<vmem_shared>> -> memref<104x128xf32, #tpu.memory_space<vmem_shared>>
        %dma_wait3A_83 = arith.constant 0 : i32
        %dma_wait3A_84 = arith.constant 0 : i32
        %dma_wait3A_85 = tpu.memref_slice %arg8[%dma_wait3A_83, %dma_wait3A_84] : memref<128x128xf32, #tpu.memory_space<vmem>> -> memref<104x128xf32, #tpu.memory_space<vmem>>
        tpu.wait_dma2 semaphore(%run_scoped3A : memref<!tpu.dma_semaphore, #tpu.memory_space<semaphore_mem>>) src(%dma_wait3A_85 : memref<104x128xf32, #tpu.memory_space<vmem>>) dst(%dma_wait3A_82 : memref<104x128xf32, #tpu.memory_space<vmem_shared>>)
        tpu.yield
      }) : () -> ()
    }
    %scan3A_26 = arith.constant 6 : i32
    %eq3A = arith.constant 0 : i32
    %eq3A_27 = arith.cmpi eq, %arg1, %eq3A : i32
    %convert_element_type3A = arith.extui %eq3A_27 : i1 to i32
    %cond3A = arith.constant 0 : i32
    %cond3A_28 = arith.cmpi ne, %convert_element_type3A, %cond3A : i32
    scf.if %cond3A_28 {
      "tpu.region"() ({
        %run_scoped3A = tpu.sem_alloc : memref<!tpu.dma_semaphore, #tpu.memory_space<semaphore_mem>>
        %dma_start3A_60 = arith.constant 0 : i32
        %dma_start3A_61 = arith.constant 0 : i32
        %dma_start3A_62 = tpu.memref_slice %arg8[%dma_start3A_60, %dma_start3A_61] : memref<128x128xf32, #tpu.memory_space<vmem>> -> memref<16x128xf32, #tpu.memory_space<vmem>>
        %dma_start3A_63 = arith.constant 9984 : i32
        %dma_start3A_64 = arith.constant 0 : i32
        %dma_start3A_65 = tpu.memref_slice %arg9[%dma_start3A_63, %dma_start3A_64] : memref<10008x128xf32, #tpu.memory_space<vmem_shared>> -> memref<16x128xf32, #tpu.memory_space<vmem_shared>>
        %dma_start3A_66 = arith.constant 9984 : i32
        %dma_start3A_67 = arith.constant 0 : i32
        %dma_start3A_68 = tpu.memref_slice %arg9[%dma_start3A_66, %dma_start3A_67] : memref<10008x128xf32, #tpu.memory_space<vmem_shared>> -> memref<16x128xf32, #tpu.memory_space<vmem_shared>>
        %dma_start3A_69 = arith.constant 0 : i32
        %dma_start3A_70 = arith.constant 0 : i32
        %dma_start3A_71 = tpu.memref_slice %arg8[%dma_start3A_69, %dma_start3A_70] : memref<128x128xf32, #tpu.memory_space<vmem>> -> memref<16x128xf32, #tpu.memory_space<vmem>>
        tpu.enqueue_dma source(%dma_start3A_71 : memref<16x128xf32, #tpu.memory_space<vmem>>) target(%dma_start3A_68 : memref<16x128xf32, #tpu.memory_space<vmem_shared>>) target_semaphore(%run_scoped3A : memref<!tpu.dma_semaphore, #tpu.memory_space<semaphore_mem>>)
        %dma_wait3A_72 = arith.constant 0 : i32
        %dma_wait3A_73 = arith.constant 0 : i32
        %dma_wait3A_74 = tpu.memref_slice %arg8[%dma_wait3A_72, %dma_wait3A_73] : memref<128x128xf32, #tpu.memory_space<vmem>> -> memref<16x128xf32, #tpu.memory_space<vmem>>
        %dma_wait3A_75 = arith.constant 9984 : i32
        %dma_wait3A_76 = arith.constant 0 : i32
        %dma_wait3A_77 = tpu.memref_slice %arg9[%dma_wait3A_75, %dma_wait3A_76] : memref<10008x128xf32, #tpu.memory_space<vmem_shared>> -> memref<16x128xf32, #tpu.memory_space<vmem_shared>>
        %dma_wait3A_78 = arith.constant 9984 : i32
        %dma_wait3A_79 = arith.constant 0 : i32
        %dma_wait3A_80 = tpu.memref_slice %arg9[%dma_wait3A_78, %dma_wait3A_79] : memref<10008x128xf32, #tpu.memory_space<vmem_shared>> -> memref<16x128xf32, #tpu.memory_space<vmem_shared>>
        %dma_wait3A_81 = arith.constant 0 : i32
        %dma_wait3A_82 = arith.constant 0 : i32
        %dma_wait3A_83 = tpu.memref_slice %arg8[%dma_wait3A_81, %dma_wait3A_82] : memref<128x128xf32, #tpu.memory_space<vmem>> -> memref<16x128xf32, #tpu.memory_space<vmem>>
        tpu.wait_dma2 semaphore(%run_scoped3A : memref<!tpu.dma_semaphore, #tpu.memory_space<semaphore_mem>>) src(%dma_wait3A_83 : memref<16x128xf32, #tpu.memory_space<vmem>>) dst(%dma_wait3A_80 : memref<16x128xf32, #tpu.memory_space<vmem_shared>>)
        tpu.yield
      }) : () -> ()
    } else {
    }
    %barrier3A = arith.constant 0 : index
    tpu.barrier barrier_id(%barrier3A)
    %dma_wait3A = arith.constant 0 : i32
    %dma_wait3A_29 = arith.constant 0 : i32
    %dma_wait3A_30 = tpu.memref_slice %arg3[%add3A, %dma_wait3A, %dma_wait3A_29] : memref<32x79x128xi32, #tpu.memory_space<hbm>> -> memref<1x79x128xi32, #tpu.memory_space<hbm>>
    %dma_wait3A_31 = tpu.memref_squeeze %dma_wait3A_30 : memref<1x79x128xi32, #tpu.memory_space<hbm>> -> memref<79x128xi32, #tpu.memory_space<hbm>>
    %dma_wait3A_32 = arith.constant 0 : i32
    %dma_wait3A_33 = arith.constant 0 : i32
    %dma_wait3A_34 = tpu.memref_slice %arg3[%add3A, %dma_wait3A_32, %dma_wait3A_33] : memref<32x79x128xi32, #tpu.memory_space<hbm>> -> memref<1x79x128xi32, #tpu.memory_space<hbm>>
    %dma_wait3A_35 = tpu.memref_squeeze %dma_wait3A_34 : memref<1x79x128xi32, #tpu.memory_space<hbm>> -> memref<79x128xi32, #tpu.memory_space<hbm>>
    tpu.wait_dma2 semaphore(%arg11 : memref<!tpu.dma_semaphore, #tpu.memory_space<semaphore_mem>>) src(%dma_wait3A_35 : memref<79x128xi32, #tpu.memory_space<hbm>>) dst(%arg6 : memref<79x128xi32, #tpu.memory_space<vmem>>)
    %dma_wait3A_36 = arith.constant 0 : i32
    %dma_wait3A_37 = arith.constant 0 : i32
    %dma_wait3A_38 = tpu.memref_slice %arg4[%add3A, %dma_wait3A_36, %dma_wait3A_37] : memref<32x79x128xi32, #tpu.memory_space<hbm>> -> memref<1x79x128xi32, #tpu.memory_space<hbm>>
    %dma_wait3A_39 = tpu.memref_squeeze %dma_wait3A_38 : memref<1x79x128xi32, #tpu.memory_space<hbm>> -> memref<79x128xi32, #tpu.memory_space<hbm>>
    %dma_wait3A_40 = arith.constant 0 : i32
    %dma_wait3A_41 = arith.constant 0 : i32
    %dma_wait3A_42 = tpu.memref_slice %arg4[%add3A, %dma_wait3A_40, %dma_wait3A_41] : memref<32x79x128xi32, #tpu.memory_space<hbm>> -> memref<1x79x128xi32, #tpu.memory_space<hbm>>
    %dma_wait3A_43 = tpu.memref_squeeze %dma_wait3A_42 : memref<1x79x128xi32, #tpu.memory_space<hbm>> -> memref<79x128xi32, #tpu.memory_space<hbm>>
    tpu.wait_dma2 semaphore(%arg11 : memref<!tpu.dma_semaphore, #tpu.memory_space<semaphore_mem>>) src(%dma_wait3A_43 : memref<79x128xi32, #tpu.memory_space<hbm>>) dst(%arg7 : memref<79x128xi32, #tpu.memory_space<vmem>>)
    %scan3A_44 = arith.constant 0 : i32
    %scan3A_45 = arith.constant 0 : i32
    %scan3A_46 = arith.constant 79 : i32
    %scan3A_47 = arith.addi %scan3A_45, %scan3A_46 : i32
    %scan3A_48 = arith.constant 1 : i32
    scf.for %scan3A_60 = %scan3A_45 to %scan3A_47 step %scan3A_48  : i32 {
      %dma_start3A_61 = arith.constant 0 : i32
      %dma_start3A_62 = tpu.memref_slice %arg6[%scan3A_60, %dma_start3A_61] : memref<79x128xi32, #tpu.memory_space<vmem>> -> memref<1x128xi32, #tpu.memory_space<vmem>>
      %dma_start3A_63 = tpu.memref_squeeze %dma_start3A_62 : memref<1x128xi32, #tpu.memory_space<vmem>> -> memref<128xi32, #tpu.memory_space<vmem>>
      %dma_start3A_64 = arith.constant 0 : i32
      %dma_start3A_65 = arith.constant 0 : i32
      %dma_start3A_66 = tpu.memref_slice %arg2[%dma_start3A_64, %dma_start3A_65] : memref<10000x128xf32, #tpu.memory_space<hbm>> -> memref<10000x128xf32, #tpu.memory_space<hbm>>
      tpu.enqueue_indirect_dma source(%dma_start3A_66 : memref<10000x128xf32, #tpu.memory_space<hbm>>) target(%arg8 : memref<128x128xf32, #tpu.memory_space<vmem>>) offsets(%dma_start3A_63 : memref<128xi32, #tpu.memory_space<vmem>>) semaphore(%arg10 : memref<!tpu.dma_semaphore, #tpu.memory_space<semaphore_mem>>)
      %dma_wait3A_67 = arith.constant 0 : i32
      %dma_wait3A_68 = tpu.memref_slice %arg6[%scan3A_60, %dma_wait3A_67] : memref<79x128xi32, #tpu.memory_space<vmem>> -> memref<1x128xi32, #tpu.memory_space<vmem>>
      %dma_wait3A_69 = tpu.memref_squeeze %dma_wait3A_68 : memref<1x128xi32, #tpu.memory_space<vmem>> -> memref<128xi32, #tpu.memory_space<vmem>>
      %dma_wait3A_70 = arith.constant 0 : i32
      %dma_wait3A_71 = arith.constant 0 : i32
      %dma_wait3A_72 = tpu.memref_slice %arg2[%dma_wait3A_70, %dma_wait3A_71] : memref<10000x128xf32, #tpu.memory_space<hbm>> -> memref<10000x128xf32, #tpu.memory_space<hbm>>
      tpu.wait_indirect_dma semaphore(%arg10 : memref<!tpu.dma_semaphore, #tpu.memory_space<semaphore_mem>>) src(%dma_wait3A_72 : memref<10000x128xf32, #tpu.memory_space<hbm>>) dst(%arg8 : memref<128x128xf32, #tpu.memory_space<vmem>>)
      "tpu.region"() ({
        %run_scoped3A = tpu.sem_alloc : memref<!tpu.dma_semaphore, #tpu.memory_space<semaphore_mem>>
        %dma_start3A_73 = arith.constant 0 : i32
        %dma_start3A_74 = tpu.memref_slice %arg7[%scan3A_60, %dma_start3A_73] : memref<79x128xi32, #tpu.memory_space<vmem>> -> memref<1x128xi32, #tpu.memory_space<vmem>>
        %dma_start3A_75 = tpu.memref_squeeze %dma_start3A_74 : memref<1x128xi32, #tpu.memory_space<vmem>> -> memref<128xi32, #tpu.memory_space<vmem>>
        %dma_start3A_76 = arith.constant 0 : i32
        %dma_start3A_77 = arith.constant 0 : i32
        %dma_start3A_78 = tpu.memref_slice %arg9[%dma_start3A_76, %dma_start3A_77] : memref<10008x128xf32, #tpu.memory_space<vmem_shared>> -> memref<10008x128xf32, #tpu.memory_space<vmem_shared>>
        tpu.enqueue_indirect_dma source(%arg8 : memref<128x128xf32, #tpu.memory_space<vmem>>) target(%dma_start3A_78 : memref<10008x128xf32, #tpu.memory_space<vmem_shared>>) offsets(%dma_start3A_75 : memref<128xi32, #tpu.memory_space<vmem>>) semaphore(%run_scoped3A : memref<!tpu.dma_semaphore, #tpu.memory_space<semaphore_mem>>) {add = true}
        %dma_wait3A_79 = arith.constant 0 : i32
        %dma_wait3A_80 = tpu.memref_slice %arg7[%scan3A_60, %dma_wait3A_79] : memref<79x128xi32, #tpu.memory_space<vmem>> -> memref<1x128xi32, #tpu.memory_space<vmem>>
        %dma_wait3A_81 = tpu.memref_squeeze %dma_wait3A_80 : memref<1x128xi32, #tpu.memory_space<vmem>> -> memref<128xi32, #tpu.memory_space<vmem>>
        %dma_wait3A_82 = arith.constant 0 : i32
        %dma_wait3A_83 = arith.constant 0 : i32
        %dma_wait3A_84 = tpu.memref_slice %arg9[%dma_wait3A_82, %dma_wait3A_83] : memref<10008x128xf32, #tpu.memory_space<vmem_shared>> -> memref<10008x128xf32, #tpu.memory_space<vmem_shared>>
        tpu.wait_indirect_dma semaphore(%run_scoped3A : memref<!tpu.dma_semaphore, #tpu.memory_space<semaphore_mem>>) src(%arg8 : memref<128x128xf32, #tpu.memory_space<vmem>>) dst(%dma_wait3A_84 : memref<10008x128xf32, #tpu.memory_space<vmem_shared>>)
        tpu.yield
      }) : () -> ()
    }
    %scan3A_49 = arith.constant 79 : i32
    %barrier3A_50 = arith.constant 0 : index
    tpu.barrier barrier_id(%barrier3A_50)
    %mul3A_51 = arith.constant 624 : i32
    %mul3A_52 = arith.muli %arg1, %mul3A_51 : i32
    %mul3A_53 = arith.constant 624 : i32
    %mul3A_54 = arith.muli %arg1, %mul3A_53 : i32
    "tpu.region"() ({
      %run_scoped3A = tpu.sem_alloc : memref<!tpu.dma_semaphore, #tpu.memory_space<semaphore_mem>>
      %dma_start3A_60 = arith.constant 0 : i32
      %dma_start3A_61 = tpu.memref_slice %arg5[%arg0, %mul3A_54, %dma_start3A_60] : memref<2x10000x128xf32, #tpu.memory_space<hbm>> -> memref<1x624x128xf32, #tpu.memory_space<hbm>>
      %dma_start3A_62 = tpu.memref_squeeze %dma_start3A_61 : memref<1x624x128xf32, #tpu.memory_space<hbm>> -> memref<624x128xf32, #tpu.memory_space<hbm>>
      %dma_start3A_63 = arith.constant 0 : i32
      %dma_start3A_64 = tpu.memref_slice %arg9[%mul3A_52, %dma_start3A_63] : memref<10008x128xf32, #tpu.memory_space<vmem_shared>> -> memref<624x128xf32, #tpu.memory_space<vmem_shared>>
      tpu.enqueue_dma source(%dma_start3A_64 : memref<624x128xf32, #tpu.memory_space<vmem_shared>>) target(%dma_start3A_62 : memref<624x128xf32, #tpu.memory_space<hbm>>) target_semaphore(%run_scoped3A : memref<!tpu.dma_semaphore, #tpu.memory_space<semaphore_mem>>)
      %dma_wait3A_65 = arith.constant 0 : i32
      %dma_wait3A_66 = tpu.memref_slice %arg5[%arg0, %mul3A_54, %dma_wait3A_65] : memref<2x10000x128xf32, #tpu.memory_space<hbm>> -> memref<1x624x128xf32, #tpu.memory_space<hbm>>
      %dma_wait3A_67 = tpu.memref_squeeze %dma_wait3A_66 : memref<1x624x128xf32, #tpu.memory_space<hbm>> -> memref<624x128xf32, #tpu.memory_space<hbm>>
      %dma_wait3A_68 = arith.constant 0 : i32
      %dma_wait3A_69 = tpu.memref_slice %arg9[%mul3A_52, %dma_wait3A_68] : memref<10008x128xf32, #tpu.memory_space<vmem_shared>> -> memref<624x128xf32, #tpu.memory_space<vmem_shared>>
      tpu.wait_dma2 semaphore(%run_scoped3A : memref<!tpu.dma_semaphore, #tpu.memory_space<semaphore_mem>>) src(%dma_wait3A_69 : memref<624x128xf32, #tpu.memory_space<vmem_shared>>) dst(%dma_wait3A_67 : memref<624x128xf32, #tpu.memory_space<hbm>>)
      tpu.yield
    }) : () -> ()
    %eq3A_55 = arith.constant 0 : i32
    %eq3A_56 = arith.cmpi eq, %arg1, %eq3A_55 : i32
    %convert_element_type3A_57 = arith.extui %eq3A_56 : i1 to i32
    %cond3A_58 = arith.constant 0 : i32
    %cond3A_59 = arith.cmpi ne, %convert_element_type3A_57, %cond3A_58 : i32
    scf.if %cond3A_59 {
      "tpu.region"() ({
        %run_scoped3A = tpu.sem_alloc : memref<!tpu.dma_semaphore, #tpu.memory_space<semaphore_mem>>
        %dma_start3A_60 = arith.constant 9984 : i32
        %dma_start3A_61 = arith.constant 0 : i32
        %dma_start3A_62 = tpu.memref_slice %arg5[%arg0, %dma_start3A_60, %dma_start3A_61] : memref<2x10000x128xf32, #tpu.memory_space<hbm>> -> memref<1x16x128xf32, #tpu.memory_space<hbm>>
        %dma_start3A_63 = tpu.memref_squeeze %dma_start3A_62 : memref<1x16x128xf32, #tpu.memory_space<hbm>> -> memref<16x128xf32, #tpu.memory_space<hbm>>
        %dma_start3A_64 = arith.constant 9984 : i32
        %dma_start3A_65 = arith.constant 0 : i32
        %dma_start3A_66 = tpu.memref_slice %arg9[%dma_start3A_64, %dma_start3A_65] : memref<10008x128xf32, #tpu.memory_space<vmem_shared>> -> memref<16x128xf32, #tpu.memory_space<vmem_shared>>
        tpu.enqueue_dma source(%dma_start3A_66 : memref<16x128xf32, #tpu.memory_space<vmem_shared>>) target(%dma_start3A_63 : memref<16x128xf32, #tpu.memory_space<hbm>>) target_semaphore(%run_scoped3A : memref<!tpu.dma_semaphore, #tpu.memory_space<semaphore_mem>>)
        %dma_wait3A_67 = arith.constant 9984 : i32
        %dma_wait3A_68 = arith.constant 0 : i32
        %dma_wait3A_69 = tpu.memref_slice %arg5[%arg0, %dma_wait3A_67, %dma_wait3A_68] : memref<2x10000x128xf32, #tpu.memory_space<hbm>> -> memref<1x16x128xf32, #tpu.memory_space<hbm>>
        %dma_wait3A_70 = tpu.memref_squeeze %dma_wait3A_69 : memref<1x16x128xf32, #tpu.memory_space<hbm>> -> memref<16x128xf32, #tpu.memory_space<hbm>>
        %dma_wait3A_71 = arith.constant 9984 : i32
        %dma_wait3A_72 = arith.constant 0 : i32
        %dma_wait3A_73 = tpu.memref_slice %arg9[%dma_wait3A_71, %dma_wait3A_72] : memref<10008x128xf32, #tpu.memory_space<vmem_shared>> -> memref<16x128xf32, #tpu.memory_space<vmem_shared>>
        tpu.wait_dma2 semaphore(%run_scoped3A : memref<!tpu.dma_semaphore, #tpu.memory_space<semaphore_mem>>) src(%dma_wait3A_73 : memref<16x128xf32, #tpu.memory_space<vmem_shared>>) dst(%dma_wait3A_70 : memref<16x128xf32, #tpu.memory_space<hbm>>)
        tpu.yield
      }) : () -> ()
    } else {
    }
    return
  }
}

module attributes {stable_mosaic.version = 14 : i64} {
  func.func @_tc_body(%arg0: i32, %arg1: memref<2x1000x128xf32, #tpu.memory_space<vmem>>, %arg2: memref<128x128xf32, #tpu.memory_space<vmem>>, %arg3: memref<1x128xf32, #tpu.memory_space<vmem>>, %arg4: memref<1x128xf32, #tpu.memory_space<vmem>>, %arg5: memref<1000x128xf32, #tpu.memory_space<vmem>>) attributes {dimension_semantics = [#tpu.dimension_semantics<arbitrary>], iteration_bounds = array<i64: 10>, scalar_prefetch = 0 : i64, scratch_operands = 0 : i64, tpu.core_type = #tpu.core_type<tc>, window_params = [{transform_indices = @transform_0, window_bounds = array<i64: 2, 1000, 128>}, {pipeline_mode = #tpu.pipeline_mode<synchronous>, transform_indices = @transform_1, window_bounds = array<i64: 128, 128>}, {pipeline_mode = #tpu.pipeline_mode<synchronous>, transform_indices = @transform_2, window_bounds = array<i64: 1, 128>}, {pipeline_mode = #tpu.pipeline_mode<synchronous>, transform_indices = @transform_3, window_bounds = array<i64: 1, 128>}, {transform_indices = @transform_4, window_bounds = array<i64: 1000, 128>}]} {
    %get3A = arith.constant 0 : index
    %get3A_0 = arith.constant 0 : index
    %get3A_1 = arith.constant 0 : index
    %get3A_2 = vector.load %arg1[%get3A, %get3A_0, %get3A_1] : memref<2x1000x128xf32, #tpu.memory_space<vmem>>, vector<1x1000x128xf32>
    %get3A_3 = vector.shape_cast %get3A_2 : vector<1x1000x128xf32> to vector<1000x128xf32>
    %get3A_4 = arith.constant 1 : index
    %get3A_5 = arith.constant 0 : index
    %get3A_6 = arith.constant 0 : index
    %get3A_7 = vector.load %arg1[%get3A_4, %get3A_5, %get3A_6] : memref<2x1000x128xf32, #tpu.memory_space<vmem>>, vector<1x1000x128xf32>
    %get3A_8 = vector.shape_cast %get3A_7 : vector<1x1000x128xf32> to vector<1000x128xf32>
    %add3A = arith.addf %get3A_3, %get3A_8 : vector<1000x128xf32>
    %get3A_9 = arith.constant 0 : index
    %get3A_10 = arith.constant 0 : index
    %get3A_11 = vector.load %arg2[%get3A_9, %get3A_10] : memref<128x128xf32, #tpu.memory_space<vmem>>, vector<128x128xf32>
    %dot_general3A = arith.constant dense<0.000000e+00> : vector<1000x128xf32>
    %dot_general3A_12 = tpu.matmul %add3A, %get3A_11, %dot_general3A {dimension_numbers = #tpu.dot_dimension_numbers<[1], [0], [0], [1], [0, 0, 1, 1], [], []>, transpose_lhs_hint = false} : vector<1000x128xf32>, vector<128x128xf32>, vector<1000x128xf32> -> vector<1000x128xf32>
    %get3A_13 = arith.constant 0 : index
    %get3A_14 = arith.constant 0 : index
    %get3A_15 = vector.load %arg3[%get3A_13, %get3A_14] : memref<1x128xf32, #tpu.memory_space<vmem>>, vector<1x128xf32>
    %add3A_16 = vector.broadcast %get3A_15 : vector<1x128xf32> to vector<1000x128xf32>
    %add3A_17 = arith.addf %dot_general3A_12, %add3A_16 : vector<1000x128xf32>
    %ge3A = arith.constant 0.000000e+00 : f32
    %ge3A_18 = vector.broadcast %ge3A : f32 to vector<1000x128xf32>
    %ge3A_19 = arith.cmpf oge, %add3A_17, %ge3A_18 : vector<1000x128xf32>
    %get3A_20 = arith.constant 0 : index
    %get3A_21 = arith.constant 0 : index
    %get3A_22 = vector.load %arg4[%get3A_20, %get3A_21] : memref<1x128xf32, #tpu.memory_space<vmem>>, vector<1x128xf32>
    %mul3A = vector.broadcast %get3A_22 : vector<1x128xf32> to vector<1000x128xf32>
    %mul3A_23 = arith.mulf %mul3A, %add3A_17 : vector<1000x128xf32>
    %select_n3A = arith.select %ge3A_19, %add3A_17, %mul3A_23 : vector<1000x128xi1>, vector<1000x128xf32>
    %swap3A = arith.constant 0 : index
    %swap3A_24 = arith.constant 0 : index
    %swap3A_25 = vector.load %arg5[%swap3A, %swap3A_24] : memref<1000x128xf32, #tpu.memory_space<vmem>>, vector<1000x128xf32>
    tpu.vector_store %arg5[%swap3A, %swap3A_24], %select_n3A {strides = array<i32>} : memref<1000x128xf32, #tpu.memory_space<vmem>>, vector<1000x128xf32>,
    return
  }
  func.func @transform_0(%arg0: i32) -> (i32, i32, i32) {
    %c0_i32 = arith.constant 0 : i32
    %c0_i32_0 = arith.constant 0 : i32
    %c0_i32_1 = arith.constant 0 : i32
    return %c0_i32, %arg0, %c0_i32_0 : i32, i32, i32
  }
  func.func @transform_1(%arg0: i32) -> (i32, i32) {
    %c0_i32 = arith.constant 0 : i32
    %c0_i32_0 = arith.constant 0 : i32
    %c0_i32_1 = arith.constant 0 : i32
    return %c0_i32, %c0_i32_0 : i32, i32
  }
  func.func @transform_2(%arg0: i32) -> (i32, i32) {
    %c0_i32 = arith.constant 0 : i32
    %c0_i32_0 = arith.constant 0 : i32
    %c0_i32_1 = arith.constant 0 : i32
    return %c0_i32, %c0_i32_0 : i32, i32
  }
  func.func @transform_3(%arg0: i32) -> (i32, i32) {
    %c0_i32 = arith.constant 0 : i32
    %c0_i32_0 = arith.constant 0 : i32
    %c0_i32_1 = arith.constant 0 : i32
    return %c0_i32, %c0_i32_0 : i32, i32
  }
  func.func @transform_4(%arg0: i32) -> (i32, i32) {
    %c0_i32 = arith.constant 0 : i32
    %c0_i32_0 = arith.constant 0 : i32
    return %arg0, %c0_i32 : i32, i32
  }
}

</mosaic_0001>

<sc_bundles>
// kernel: kernel.4.cloned.1.call-start
scs
__scs_entry_jumppad:
0x0: {  	(pc) =	sbr.rel $0x88, $3  }
0x1: {  	(tag) =	ssettag $0x0;
	lr =	simm.s32 $0x1  }
0x2: {  	[smem:$0x3F9C] =	sst lr;
	_ =	strace $0xD0000000  }
0x3: {  	_ = 	snop  }
0x4: {  	_ = 	snop  }
0x5: {  	_ = 	snop  }
0x6: {  	_ = 	snop  }
0x7: {  	_ = 	snop  }
__scs_overlays_trampoline_lowered:
0x8: {  	[smem:$0x3FAB] =	sst s0  }
0x9: {  	[smem:$0x3FAC] =	sst s1  }
0xa: {  	[smem:$0x3FAD] =	sst s2  }
0xb: {  	[smem:$0x3FAE] =	sst s3  }
0xc: {  	[smem:$0x3FAF] =	sst s4  }
0xd: {  	[smem:$0x3FB0] =	sst s5  }
0xe: {  	[smem:$0x3FB1] =	sst s6  }
0xf: {  	[smem:$0x3FB2] =	sst s7  }
0x10: {  	[smem:$0x3FB3] =	sst s8  }
0x11: {  	[smem:$0x3FB4] =	sst s9;
	s0 =	simm.s32 @!p0 $0x0  }
0x12: {  	s1 =	sld [smem:$0x3F9A];
	s0 =	simm.s32 @p0 $0x1  }
0x13: {  	[smem:$0x3FB5] =	sst s0;
	s0 =	simm.s32 @!p1 $0x0  }
0x14: {  	s2 =	sld [smem:$0x3F99];
	s0 =	simm.s32 @p1 $0x1  }
0x15: {  	[smem:$0x3FB6] =	sst s0;
	s0 =	simm.s32 @!p2 $0x0  }
0x16: {  	s3 =	sld [smem:$0x3FDB];
	s0 =	simm.s32 @p2 $0x1  }
0x17: {  	s4 =	simm.s32 $0x1BF5;
	[smem:$0x3FB8] =	sst s0  }
0x18: {  	s0 =	sld [smem:$0x3F9B];
	_ =	swait.ge [sflag:s4], $0x0  }
0x19: {  	s7 =	sld [smem:$0x3F9C]  }
0x1a: {  	s8 =	sadd.s32 $0xFFFFE003, lr  }
0x1b: {  	s9 =	sadd.s32 $0xFFFFFEF7, lr;
	s5 =	simm.s32 $0xFFFFFFFF;
	p2 =	slt.u32 s8, $0xFFFFF086  }
0x1c: {  	p1 =	slt.u32 s9, $0xF7A;
	s5 =	simm.s32 @!p2 $0x0  }
0x1d: {  	s5 =	simm.s32 @p1 $0x1;
	p0 =	seq.s32 s7, s2  }
0x1e: {  	s7 =	smul.u32 @!p0 $0xF7A, s2;
	p2 =	seq.s32 @!p0 s5, $0x0  }
0x1f: {  	s9 =	smul.u32 $0xF7A, s1;
	s8 =	simm.s32 @!p0 $0x1BF5;
	p2 =	por !p2, p0  }
0x20: {  	[sflag:s8] =	ssyncset.s32 @!p0 $0xFFFFF086;
	s6 =	sadd.s32 @!p0 s3, s7;
	s7 =	simm.s32 @!p0 $0x108  }
0x21: {  	s3 =	sadd.s32 s3, s9;
	s6 =	sadd.s32 @!p0 $0x88, s6;
	s7 =	simm.s32 @p2 $0x1082  }
0x22: {  	[simem:s7], [sflag:s8] =	dma.local @!p0 [hbm:s6], $0xF7A  }
0x23: {  	s9 =	sor.u32 $0xD0000000, s2;
	s6 =	simm.s32 $0x108;
	_ =	swait.ge @!p0 [sflag:s8], $0x0  }
0x24: {  	s3 =	sadd.s32 $0x88, s3;
	s6 =	simm.s32 @!p1 $0x1082;
	[sflag:s4] =	ssyncset.s32 $0xFFFFF086  }
0x25: {  	[simem:s6], [sflag:s4] =	dma.local [hbm:s3], $0xF7A  }
0x26: {  	[smem:$0x3F9C] =	sst s1;
	(tag) =	ssettag s2;
	_ =	strace s9  }
0x27: {  	s1 =	sld [smem:$0x3FAC]  }
0x28: {  	s2 =	sld [smem:$0x3FAD]  }
0x29: {  	s4 =	sld [smem:$0x3FAF]  }
0x2a: {  	p0 =	seq.s32 s5, $0x0;
	s5 =	sld [smem:$0x3FB0]  }
0x2b: {  	s6 =	sld [smem:$0x3FB1]  }
0x2c: {  	s7 =	sld [smem:$0x3FB2]  }
0x2d: {  	s3 =	simm.s32 $0x108;
	s8 =	sld [smem:$0x3FB3]  }
0x2e: {  	s3 =	simm.s32 @!p0 $0x1082;
	s9 =	sld [smem:$0x3FB4]  }
0x2f: {  	lr =	sadd.s32 s0, s3;
	s0 =	sld [smem:$0x3FAB]  }
0x30: {  	s3 =	sld [smem:$0x3FAE]  }
0x31: {  	[smem:$0x3FB7] =	sst s10  }
0x32: {  	s10 =	sld [smem:$0x3FB5];
	_ =	sdelay $0x3  }
0x33: {  	p0 =	seq.s32 s10, $0x1;
	s10 =	sld [smem:$0x3FB7];
	_ =	sdelay $0x3  }
0x34: {  	[smem:$0x3FB7] =	sst s10  }
0x35: {  	s10 =	sld [smem:$0x3FB6];
	_ =	sdelay $0x3  }
0x36: {  	p1 =	seq.s32 s10, $0x1;
	s10 =	sld [smem:$0x3FB7];
	_ =	sdelay $0x3  }
0x37: {  	[smem:$0x3FB7] =	sst s10  }
0x38: {  	s10 =	sld [smem:$0x3FB8]  }
0x39: {  	_ = 	snop;
	(pc) =	sbr.ind lr, $3  }
0x3a: {  	_ = 	snop  }
0x3b: {  	_ = 	snop  }
0x3c: {  	p2 =	seq.s32 s10, $0x1;
	s10 =	sld [smem:$0x3FB7]  }
0x3d: {  	_ =	shalt  }
0x3e: {  	_ =	shalt  }
0x3f: {  	_ =	shalt  }
0x40: {  	_ =	shalt  }
0x41: {  	_ =	shalt  }
0x42: {  	_ =	shalt  }
0x43: {  	_ =	shalt  }
0x44: {  	_ =	shalt  }
0x45: {  	_ =	shalt  }
0x46: {  	_ =	shalt  }
0x47: {  	_ =	shalt  }
0x48: {  	_ =	shalt  }
0x49: {  	_ =	shalt  }
0x4a: {  	_ =	shalt  }
0x4b: {  	_ =	shalt  }
0x4c: {  	_ =	shalt  }
0x4d: {  	_ =	shalt  }
0x4e: {  	_ =	shalt  }
0x4f: {  	_ =	shalt  }
0x50: {  	_ =	shalt  }
0x51: {  	_ =	shalt  }
0x52: {  	_ =	shalt  }
0x53: {  	_ =	shalt  }
0x54: {  	_ =	shalt  }
0x55: {  	_ =	shalt  }
0x56: {  	_ =	shalt  }
0x57: {  	_ =	shalt  }
0x58: {  	_ =	shalt  }
0x59: {  	_ =	shalt  }
0x5a: {  	_ =	shalt  }
0x5b: {  	_ =	shalt  }
0x5c: {  	_ =	shalt  }
0x5d: {  	_ =	shalt  }
0x5e: {  	_ =	shalt  }
0x5f: {  	_ =	shalt  }
0x60: {  	_ =	shalt  }
0x61: {  	_ =	shalt  }
0x62: {  	_ =	shalt  }
0x63: {  	_ =	shalt  }
0x64: {  	_ =	shalt  }
0x65: {  	_ =	shalt  }
0x66: {  	_ =	shalt  }
0x67: {  	_ =	shalt  }
0x68: {  	_ =	shalt  }
0x69: {  	_ =	shalt  }
0x6a: {  	_ =	shalt  }
0x6b: {  	_ =	shalt  }
0x6c: {  	_ =	shalt  }
0x6d: {  	_ =	shalt  }
0x6e: {  	_ =	shalt  }
0x6f: {  	_ =	shalt  }
0x70: {  	_ =	shalt  }
0x71: {  	_ =	shalt  }
0x72: {  	_ =	shalt  }
0x73: {  	_ =	shalt  }
0x74: {  	_ =	shalt  }
0x75: {  	_ =	shalt  }
0x76: {  	_ =	shalt  }
0x77: {  	_ =	shalt  }
0x78: {  	_ =	shalt  }
0x79: {  	_ =	shalt  }
0x7a: {  	_ =	shalt  }
0x7b: {  	_ =	shalt  }
0x7c: {  	_ =	shalt  }
0x7d: {  	_ =	shalt  }
0x7e: {  	_ =	shalt  }
0x7f: {  	_ =	shalt  }
0x80: {  	_ =	shalt  }
0x81: {  	_ =	shalt  }
0x82: {  	_ =	shalt  }
0x83: {  	_ =	shalt  }
0x84: {  	_ =	shalt  }
0x85: {  	_ =	shalt  }
0x86: {  	_ =	shalt  }
0x87: {  	_ =	shalt  }
.Lfunc_end0:
.L_simem_size_0:
called_computation_lowered:
.L_overlay_start_0:
0x88: {  	s2 =	sld [smem:$0x3FD9]  }
0x89: {  	s3 =	sld [smem:$0x3FFE];
	_ =	sdelay $0x1  }
0x8a: {  	s1 =	srdreg.scid  }
0x8b: {  	s0 =	sand.u32 $0x1, s1  }
0x8c: {  	s17 =	sshll.u32 s0, $0xA;
	s2 =	sadd.s32 s3, s2  }
0x8d: {  	s2 =	sadd.s32 s2, s17  }
0x8e: {  	[smem:$0x3FC3] =	sst s2  }
0x8f: {  	_ = 	snop  }
0x90: {  	s2 =	sld [smem:$0x3FC9]  }
0x91: {  	s18 =	sld [smem:$0x3FD0];
	(tm) =	ssettm $0x1  }
0x92: {  	s4 =	sld [smem:$0x3FFB];
	_ =	sdelay $0x3  }
0x93: {  	_ =	strace s4  }
0x94: {  	s4 =	sld [smem:$0x3FFC];
	_ =	sdelay $0x3  }
0x95: {  	_ =	strace s4  }
0x96: {  	s4 =	sld [smem:$0x3FFD];
	_ =	sdelay $0x3  }
0x97: {  	_ =	strace s4  }
0x98: {  	_ =	strace $0x8FFFFFFF  }
0x99: {  	s19 =	sld [smem:$0x3FDB];
	_ =	sdelay $0x1  }
0x9a: {  	s5 =	simm.s32 $_scs_section_size  }
0x9b: {  	s6 =	simm.s32 $_size__tile_overlayer_lowered;
	s7 =	simm.s32 $_tile_overlayer_lowered  }
0x9c: {  	s22 =	simm.s32 $0x1BFF;
	s21 =	sshll.u32 s7, $0x1;
	s4 =	sadd.s32 s5, s19  }
0x9d: {  	s8 =	simm.s32 $0x0;
	s20 =	sshll.u32 s6, $0x1;
	s6 =	sadd.s32 s21, s4  }
0x9e: {  	[timem:s8], [sflag:s22] =	dma.local [hbm:s6], s20  }
0x9f: {  	_ =	swait.ge [sflag:s22], s20  }
0xa0: {  	s5 =	ssub.s32 $0x0, s20;
	[sflag:s22] =	ssyncset.done $0x0  }
0xa1: {  	[sflag:s22] =	ssyncadd.s32 s5;
	_ =	sdelay $0x1  }
0xa2: {  	s23 =	simm.s32 $0x1B8B  }
0xa3: {  	_ =	swait.ge [sflag:s23], $0x1  }
0xa4: {  	[sflag:s23] =	ssyncset.done $0x0  }
0xa5: {  	s25 =	simm.s32 $0x1B8E;
	s24 =	sld [smem:$0x3FFE];
	[sflag:s23] =	ssyncadd.s32 $0xFFFFFFFF  }
0xa6: {  	s26 =	simm.s32 $execute0_lowered;
	[smem:$0x3FD2] =	sst s25  }
0xa7: {  	s6 =	sshll.u32 s26, $0x1;
	_ =	strace $0x80000046;
	[dreg:$0x1] =	wrdreg $0xFFFFFFFF  }
0xa8: {  	s28 =	simm.s32 $_size_execute0_lowered;
	s4 =	sadd.s32 s4, s6;
	[dreg:$0x0] =	wrdreg $0x0  }
0xa9: {  	s6 =	sshll.u32 s28, $0x1;
	[dreg:$0x2] =	wrdreg s4  }
0xaa: {  	[dreg:$0x3] =	wrdreg s6  }
0xab: {  	[dreg:$0x4] =	wrdreg $0xC0  }
0xac: {  	_ =	task [dreg:s8], $0x5FFFF  }
0xad: {  	[dreg:$0x1] =	wrdreg $0xFFFFFFFF  }
0xae: {  	[dreg:$0x0] =	wrdreg $0x60  }
0xaf: {  	[dreg:$0x2] =	wrdreg s2  }
0xb0: {  	[dreg:$0x3] =	wrdreg s18  }
0xb1: {  	[dreg:$0x4] =	wrdreg s24  }
0xb2: {  	[dreg:$0x5] =	wrdreg $0x90000  }
0xb3: {  	[dreg:$0x6] =	wrdreg $0x9  }
0xb4: {  	_ =	task.clear_ibuf [dreg:s8], $0x7FFFF;
	_ =	strace $0x90000046  }
0xb5: {  	s29 =	simm.s32 $0x9;
	_ =	strace $0x80000048  }
0xb6: {  	_ =	swait.ge [sflag:s29], $0x1  }
0xb7: {  	[sflag:s29] =	ssyncadd.s32 $0xFFFFFFFF  }
0xb8: {  	_ =	strace $0x90000048  }
0xb9: {  	_ =	sfence  }
0xba: {  	s30 =	sld [smem:$0x0];
	_ =	sdelay $0x2  }
0xbb: {  	s31 =	sshll.u32 s1, $0xD;
	s1 =	sshrl.u32 s1, $0x2  }
0xbc: {  	s3 =	sand.u32 $0x4000, s31;
	s1 =	sadd.s32 s1, s30  }
0xbd: {  	s0 =	sor.u32 s3, s0;
	s1 =	sshll.u32 s1, $0x11  }
0xbe: {  	s0 =	sor.u32 s1, s0  }
0xbf: {  	s0 =	sadd.s32 $0x8F2B, s0  }
0xc0: {  	[sflag:s0] =	ssyncadd.remote.s32 $0x1  }
0xc1: {  	_ =	sfence.sel $0xFFFF  }
0xc2: {  	[dreg:$0x0] =	wrdreg $0xFFFFFFFF;
	(pc) =	sbr.abs _section_cstart, $3  }
0xc3: {  	[dreg:$0x1] =	wrdreg $0xFFFFFFFF  }
0xc4: {  	_ =	task.clear_ibuf [dreg:s8], $0x2FFFF;
	_ =	strace $0x9FFFFFFF  }
0xc5: {  	(tm) =	ssettm $0x7FFFFFFF  }
tec
execute0_lowered:
.L_overlay_start_1:
0x0: {  	(tag) =	ssettag $0x1  }
0x1: {  	s0 =	rddreg [dreg:$0x0]  }
0x2: {  	s5 =	rddreg [dreg:$0x1]  }
0x3: {  	s6 =	rddreg [dreg:$0x2]  }
0x4: {  	s1 =	srdreg.scid;
	s2 =	rddreg [dreg:$0x3]  }
0x5: {  	s3 =	stileid.u32;
	s4 =	simm.s32 $0x0;
	s17 =	simm.s32 $0x2800  }
0x6: {  	s18 =	simm.s32 $0x5000;
	s19 =	simm.s32 $0x3;
	s20 =	simm.s32 $0x2  }
0x7: {  	s21 =	simm.s32 $0x80;
	s22 =	simm.s32 $0x1;
	s23 =	simm.s32 $0x0  }
0x8: {  	s7 =	sand.u32 $0x1, s1;
	s1 =	rddreg [dreg:$0x4];
	s13 =	smul.u32 $0x13800, s3  }
0x9: {  	[smem:$0x7FF] =	sst s4;
	s12 =	sadd.s32 $0xA400, s6;
	s28 =	smul.u32 $0x4E000, s3  }
0xa: {  	p0 =	sne.s32 s3, $0x0;
	s8 =	sshll.u32 s7, $0x4;
	_ =	strace $0x80000047  }
0xb: {  	s10 =	ssub.s32 $0x2, s7;
	s11 =	smul.u32 $0x138800, s7;
	s8 =	sor.u32 s3, s8  }
0xc: {  	s7 =	sadd.s32 $0x138000, s2;
	s26 =	sshrl.u32 s10, $0x1;
	s8 =	smul.u32 $0x500, s8  }
0xd: {  	s30 =	sshrl.u32 s28, $0x2;
	s29 =	sadd.s32 s13, s11;
	s11 =	sshrl.u32 s11, $0x3  }
0xe: {  	s14 =	ssub.s32 s10, s26;
	s31 =	sadd.s32 s12, s11;
	s9 =	sadd.s32 s8, s6  }
0xf: {  	s11 =	smax.u32 s14, $0x1;
	s6 =	sadd.s32 $0x400, s9;
	s9 =	sshrl.u32 s29, $0x3  }
0x10: {  	s5 =	sadd.s32 s5, s8;
	s8 =	sadd.s32 s12, s9;
	s9 =	sadd.s32 s30, s2  }
0x11: {  	s10 =	sadd.s32 $0x27000, s31;
	s12 =	sadd.s32 $0x3400, s9;
	s13 =	sadd.s32 $0x6800, s9  }
0x12: {  	v0 =	vimm.f32 $0.0e+00;
	s14 =	sadd.s32 $0x9C00, s9;
	s15 =	sadd.s32 $0xD000, s9;
	s16 =	sadd.s32 $0x10400, s9  }
.LBB2_1:
0x13: {  	[tilespmem:s4], [sflag:$0x2] =	stream.linear.gather [hbm4b:s5+s4], $0x2780, $0x38;
	[tilespmem:$0x1C8C0] =	vst v63  }
0x14: {  	s24 =	simm.s32 $0x0;
	s25 =	simm.s32 $0x200  }
0x15: {  	[tilespmem:s17], [sflag:$0x2] =	stream.linear.gather [hbm4b:s6+s4], $0x2780, $0x38;
	[tilespmem:$0x1C8C0] =	vst v63  }
.LBB2_2:
0x16: {  	p1 =	sne.s32 s25, $0xCE00;
	[tilespmem:s24+$0x5070] =	vst v0  }
0x17: {  	[tilespmem:s24+$0x5000] =	vst v0  }
0x18: {  	[tilespmem:s24+$0x5010] =	vst v0  }
.Ltmp0:
0x19: {  	[tilespmem:s24+$0x5020] =	vst v0;
	(pc) =	sbr.rel @p1 .LBB2_2-.Ltmp0, $4  }
0x1a: {  	[tilespmem:s24+$0x5030] =	vst v0  }
0x1b: {  	[tilespmem:s24+$0x5040] =	vst v0  }
0x1c: {  	[tilespmem:s24+$0x5050] =	vst v0  }
0x1d: {  	[tilespmem:s24+$0x5060] =	vst v0;
	s24 =	sshra.s32 s25, $0x2;
	s25 =	sadd.s32 $0x200, s25  }
0x1e: {  	[tilespmem:s24+$0x5070] =	vst v0  }
0x1f: {  	[tilespmem:s24+$0x5000] =	vst v0  }
0x20: {  	[tilespmem:s24+$0x5010] =	vst v0  }
0x21: {  	[tilespmem:s24+$0x5020] =	vst v0  }
0x22: {  	[tilespmem:s24+$0x5030] =	vst v0  }
0x23: {  	[tilespmem:s24+$0x5040] =	vst v0  }
0x24: {  	[tilespmem:s24+$0x5050] =	vst v0  }
0x25: {  	[tilespmem:s24+$0x5060] =	vst v0  }
0x26: {  	[spmem:s9] =	stream.linear.scatter [tilespmem:s18], [sflag:$0x3], $0x3400, $0x38;
	[tilespmem:$0x1C8C0] =	vst v63  }
0x27: {  	_ =	swait.ge [sflag:s19], $0x3400  }
0x28: {  	[sflag:s19] =	ssyncset.done $0x0  }
0x29: {  	[sflag:s19] =	ssyncadd.s32 $0xFFFFCC00  }
0x2a: {  	[spmem:s12] =	stream.linear.scatter [tilespmem:s18], [sflag:$0x3], $0x3400, $0x38;
	[tilespmem:$0x1C8C0] =	vst v63  }
0x2b: {  	_ =	swait.ge [sflag:s19], $0x3400  }
0x2c: {  	[sflag:s19] =	ssyncset.done $0x0  }
0x2d: {  	[sflag:s19] =	ssyncadd.s32 $0xFFFFCC00  }
0x2e: {  	[spmem:s13] =	stream.linear.scatter [tilespmem:s18], [sflag:$0x3], $0x3400, $0x38;
	[tilespmem:$0x1C8C0] =	vst v63  }
0x2f: {  	_ =	swait.ge [sflag:s19], $0x3400  }
0x30: {  	[sflag:s19] =	ssyncset.done $0x0  }
0x31: {  	[sflag:s19] =	ssyncadd.s32 $0xFFFFCC00  }
0x32: {  	[spmem:s14] =	stream.linear.scatter [tilespmem:s18], [sflag:$0x3], $0x3400, $0x38;
	[tilespmem:$0x1C8C0] =	vst v63  }
0x33: {  	_ =	swait.ge [sflag:s19], $0x3400  }
0x34: {  	[sflag:s19] =	ssyncset.done $0x0  }
0x35: {  	[sflag:s19] =	ssyncadd.s32 $0xFFFFCC00  }
0x36: {  	[spmem:s15] =	stream.linear.scatter [tilespmem:s18], [sflag:$0x3], $0x3400, $0x38;
	[tilespmem:$0x1C8C0] =	vst v63  }
0x37: {  	_ =	swait.ge [sflag:s19], $0x3400  }
0x38: {  	[sflag:s19] =	ssyncset.done $0x0  }
0x39: {  	[sflag:s19] =	ssyncadd.s32 $0xFFFFCC00  }
0x3a: {  	[spmem:s16] =	stream.linear.scatter [tilespmem:s18], [sflag:$0x3], $0x3400, $0x38;
	[tilespmem:$0x1C8C0] =	vst v63  }
0x3b: {  	_ =	swait.ge [sflag:s19], $0x3400  }
0x3c: {  	[sflag:s19] =	ssyncset.done $0x0  }
0x3d: {  	s24 =	simm.s32 @!p0 $0x5000;
	[sflag:s19] =	ssyncadd.s32 $0xFFFFCC00  }
0x3e: {  	[spmem:s7] =	stream.linear.scatter @!p0 [tilespmem:s24], [sflag:$0x3], $0x800, $0x38;
	[tilespmem:$0x1C8C0] =	vst v63  }
0x3f: {  	s24 =	simm.s32 @!p0 $0x3  }
0x40: {  	_ =	swait.ge @!p0 [sflag:s24], $0x800  }
0x41: {  	[sflag:s24] =	ssyncset.done @!p0 $0x0  }
0x42: {  	[sflag:s24] =	ssyncadd.s32 @!p0 $0xFFFFF800  }
0x43: {  	[bflag:$0x0] =	sbarrier.arrive $0xFFFF  }
0x44: {  	_ =	swait.ge [sflag:s20], $0x2780  }
0x45: {  	[sflag:s20] =	ssyncset.done $0x0  }
0x46: {  	[sflag:s20] =	ssyncadd.s32 $0xFFFFD880  }
0x47: {  	_ =	swait.ge [sflag:s20], $0x2780  }
0x48: {  	[sflag:s20] =	ssyncset.done $0x0  }
0x49: {  	s30 =	simm.s32 $0x0;
	[sflag:s20] =	ssyncadd.s32 $0xFFFFD880  }
0x4a: {  	[tilespmem:s18], [sflag:$0x1] =	stream.indirect.gather [hbm4b:s0+s21], $0x80, s30, s21, $0xb8;
	[tilespmem:$0x1C8C0] =	vst v63  }
0x4b: {  	_ =	swait.ge [sflag:s22], $0x4000  }
0x4c: {  	[sflag:s22] =	ssyncset.done $0x0  }
0x4d: {  	s31 =	simm.s32 $0x2800;
	[sflag:s22] =	ssyncadd.s32 $0xFFFFC000  }
0x4e: {  	[spmem:s2] =	stream.indirect.scatter.add.f32 [tilespmem:s18], [sflag:$0x3], $0x80, s31, s21, $0xb8;
	[tilespmem:$0x1C8C0] =	vst v63  }
0x4f: {  	_ =	swait.ge [sflag:s19], $0x4000  }
0x50: {  	s25 =	simm.s32 $0x400;
	s24 =	simm.s32 $0x200;
	[sflag:s19] =	ssyncset.done $0x0  }
.LBB2_4:
0x51: {  	s26 =	sshra.s32 s24, $0x2  }
0x52: {  	[sflag:s19] =	ssyncadd.s32 $0xFFFFC000;
	s24 =	smov.u32 s25;
	s28 =	sadd.s32 $0x200, s25  }
0x53: {  	[tilespmem:s18], [sflag:$0x1] =	stream.indirect.gather [hbm4b:s0+s21], $0x80, s26, s21, $0xb8;
	[tilespmem:$0x1C8C0] =	vst v63  }
0x54: {  	p1 =	sne.s32 s25, $0x9C00;
	_ =	swait.ge [sflag:s22], $0x4000  }
.Ltmp1:
0x55: {  	[sflag:s22] =	ssyncset.done $0x0;
	(pc) =	sbr.rel @p1 .LBB2_4-.Ltmp1, $4  }
0x56: {  	s25 =	sadd.s32 $0x2800, s26;
	[sflag:s22] =	ssyncadd.s32 $0xFFFFC000  }
0x57: {  	[spmem:s2] =	stream.indirect.scatter.add.f32 [tilespmem:s18], [sflag:$0x3], $0x80, s25, s21, $0xb8;
	[tilespmem:$0x1C8C0] =	vst v63  }
0x58: {  	_ =	swait.ge [sflag:s19], $0x4000  }
0x59: {  	s25 =	smov.u32 s28;
	[sflag:s19] =	ssyncset.done $0x0  }
0x5a: {  	s24 =	sshra.s32 s24, $0x2;
	[sflag:s19] =	ssyncadd.s32 $0xFFFFC000  }
0x5b: {  	[tilespmem:s18], [sflag:$0x1] =	stream.indirect.gather [hbm4b:s0+s21], $0x80, s24, s21, $0xb8;
	[tilespmem:$0x1C8C0] =	vst v63  }
0x5c: {  	_ =	swait.ge [sflag:s22], $0x4000  }
0x5d: {  	[sflag:s22] =	ssyncset.done $0x0  }
0x5e: {  	s24 =	sadd.s32 $0x2800, s24;
	[sflag:s22] =	ssyncadd.s32 $0xFFFFC000  }
0x5f: {  	[spmem:s2] =	stream.indirect.scatter.add.f32 [tilespmem:s18], [sflag:$0x3], $0x80, s24, s21, $0xb8;
	[tilespmem:$0x1C8C0] =	vst v63  }
0x60: {  	_ =	swait.ge [sflag:s19], $0x4000  }
0x61: {  	[sflag:s19] =	ssyncset.done $0x0  }
0x62: {  	s31 =	sshll.u32 s3, $0x6;
	[sflag:s19] =	ssyncadd.s32 $0xFFFFC000  }
0x63: {  	s25 =	sshrl.u32 s9, $0x3;
	s24 =	sor.u32 $0x1C03, s31;
	[bflag:$0x0] =	sbarrier.arrive $0xFFFF  }
0x64: {  	[hbm:s8], [sflag:s24] =	dma.local [spmem:s25], $0x2700  }
0x65: {  	_ =	swait.ge [sflag:s19], $0x2700  }
0x66: {  	s23 =	sadd.s32 $0x1, s23;
	[sflag:s19] =	ssyncset.done $0x0  }
0x67: {  	p1 =	sne.s32 s23, s11;
	s25 =	sshrl.u32 @!p0 s7, $0x3;
	[sflag:s19] =	ssyncadd.s32 $0xFFFFD900  }
0x68: {  	[hbm:s10], [sflag:s24] =	dma.local @!p0 [spmem:s25], $0x100  }
.Ltmp2:
0x69: {  	_ = 	snop;
	(pc) =	sbr.rel @p1 .LBB2_1-.Ltmp2, $4  }
0x6a: {  	s24 =	simm.s32 @!p0 $0x3  }
0x6b: {  	_ =	swait.ge @!p0 [sflag:s24], $0x100  }
0x6c: {  	[sflag:s24] =	ssyncset.done @!p0 $0x0  }
0x6d: {  	[sflag:s24] =	ssyncadd.s32 @!p0 $0xFFFFFF00  }
0x6e: {  	_ =	sfence.sel $0x180000  }
0x6f: {  	[bflag:$0x0] =	sbarrier.arrive $0xFFFF  }
0x70: {  	_ =	strace $0x90000047  }
0x71: {  	s0 =	sadd.s32 @!p0 $0x100000, s1;
	[bflag:$0x2] =	sbarrier.arrive $0xFFFF  }
0x72: {  	[sflag:s0] =	ssyncadd.tile.s32 @!p0 $0x1;
	_ =	shalt  }
.Lfunc_end2:
_tile_overlayer_lowered:
.L_overlay_start_2:
0x73: {  	(tag) =	ssettag $0x2  }
0x74: {  	s0 =	rddreg [dreg:$0x0];
	s2 =	stileid.u32  }
0x75: {  	s1 =	rddreg [dreg:$0x1];
	p0 =	sne.s32 s2, $0x0  }
0x76: {  	s3 =	rddreg [dreg:$0x2];
	[bflag:$0x3] =	sbarrier.arrive $0xFFFF;
	s2 =	simm.s32 @!p0 $0x1C03  }
0x77: {  	[timem:s3], [sflag:s2] =	dma.local @!p0 [hbm:s0], s1  }
0x78: {  	s0 =	simm.s32 @!p0 $0x3  }
0x79: {  	_ =	swait.ge @!p0 [sflag:s0], s1  }
0x7a: {  	s1 =	ssub.s32 @!p0 $0x0, s1;
	[sflag:s0] =	ssyncset.done @!p0 $0x0  }
0x7b: {  	[sflag:s0] =	ssyncadd.s32 @!p0 s1  }
0x7c: {  	[bflag:$0x3] =	sbarrier.arrive $0xFFFF  }
0x7d: {  	_ =	shalt  }

</sc_bundles>
